<compile_context>
chip_gen: v7x
topology: tpu7x:2x2x1
jax: 0.10.2.dev20260603
libtpu: 0.0.44.dev20260713+nightly
codegen_flags: <defaults>
</compile_context>

<pallas_src>
import functools

import jax
import jax.numpy as jnp
from jax import lax
from jax.experimental import pallas as pl
from jax.experimental.pallas import tpu as pltpu
from jax.experimental.pallas import tpu_sc as plsc

L = 16
K = 128
K2 = 64
S1 = 65536
S2 = 1024
W3 = 1024
N = 8388608


@functools.partial(
    pl.kernel,
    out_type=jax.ShapeDtypeStruct((L,), jnp.int32),
    mesh=plsc.VectorSubcoreMesh(core_axis_name="c", subcore_axis_name="s",
                                num_cores=1, num_subcores=1),
    scratch_types=[
        pltpu.VMEM((K,), jnp.int32),
        pltpu.VMEM((K,), jnp.float32),
        pltpu.VMEM((W3,), jnp.float32),
        pltpu.VMEM((L,), jnp.float32),
        pltpu.VMEM((L,), jnp.int32),
        pltpu.SemaphoreType.DMA,
        pltpu.SemaphoreType.DMA,
    ],
)
def _search(params_hbm, bounds_hbm, out_hbm,
            idx_v, vals_v, last_v, par_v, out_v, sem, sem2):
    only_tile0 = jnp.logical_and(lax.axis_index("c") == 0,
                                 lax.axis_index("s") == 0)

    @pl.when(only_tile0)
    def _():
        iota = lax.iota(jnp.int32, L)
        ones = jnp.ones((L,), jnp.int32)
        zeros = jnp.zeros((L,), jnp.int32)

        for k in range(K // L):
            idx_v[pl.ds(k * L, L)] = (k * L + iota) * S1
        l1 = pltpu.async_copy(bounds_hbm.at[idx_v], vals_v, sem)
        pc = pltpu.async_copy(params_hbm, par_v, sem2)
        pc.wait()
        xv = par_v[...]
        xs = xv[0]
        l1.wait()

        def bsearch(ref, size):
            pos = jnp.int32(0)
            w = size // 2
            while w >= L:
                v = ref[pl.ds(pos + (w - L), L)]
                pos = pos + jnp.where(v[L - 1] < xs, w, 0)
                w //= 2
            v = ref[pl.ds(pos, L)]
            acc = jnp.where(v < xv, ones, zeros)
            lanes = [acc[j] for j in range(L)]
            while len(lanes) > 1:
                lanes = [lanes[i] + lanes[i + 1]
                         for i in range(0, len(lanes), 2)]
            return pos + lanes[0]

        c1 = bsearch(vals_v, K)
        base = jnp.maximum(c1 - 1, 0) * S1

        bb = jnp.full((L,), base, jnp.int32)
        for k in range(K2 // L):
            idx_v[pl.ds(k * L, L)] = bb + (k * L + iota) * S2
        pltpu.async_copy(bounds_hbm.at[idx_v.at[pl.ds(0, K2)]],
                         vals_v.at[pl.ds(0, K2)], sem).wait()
        c2 = bsearch(vals_v, K2)
        base = base + jnp.maximum(c2 - 1, 0) * S2

        pltpu.async_copy(bounds_hbm.at[pl.ds(base, W3)], last_v, sem).wait()
        idx = base + bsearch(last_v, W3)

        out_v[...] = jnp.full((L,), idx, jnp.int32)
        pltpu.sync_copy(out_v, out_hbm)


def kernel(x, boundaries, out_int32, right, out):
    xq = jnp.asarray(x, dtype=boundaries.dtype)
    xadj = jnp.where(jnp.asarray(right, jnp.int32) != 0,
                     jnp.nextafter(xq, jnp.inf), xq)
    params = jnp.full((L,), xadj, dtype=jnp.float32)
    res = _search(params, boundaries)
    return res[0].astype(jnp.int32)

# --- scband reference (transcript-rebuilt; emitter-appended) ---
"""Pipeline reference for scband-torch-ops-aten-bucketize-scalar-out-module-53987738911010 (READ-ONLY COPY).

The authoritative reference and input builder live on the scoring server;
editing this copy changes nothing except your own understanding.
"""

import jax, jax.numpy as jnp
import numpy as np

def setup_inputs(seed: int = 0) -> dict:
    key = jax.random.key(seed)
    # sorted boundaries via arange (bucketize requires monotonically increasing boundaries)
    boundaries = jnp.arange(8388608, dtype=jnp.float32)
    x = 4000000  # Scalar variant: python scalar query
    out_int32 = 1
    right = 1
    out = jnp.zeros((1,), dtype=jnp.int32)
    return {"x": x, "boundaries": boundaries, "out_int32": out_int32, "right": right, "out": out}

def reference(x, boundaries, out_int32, right, out):
    # aten.bucketize.Scalar_out: binary-search scalar x into sorted boundaries.
    # torch right=True -> numpy/jax side='right' (first idx with boundaries[idx] > x);
    # torch right=False -> side='left' (first idx with boundaries[idx] >= x).
    xq = jnp.asarray(x, dtype=boundaries.dtype)
    idx_left = jnp.searchsorted(boundaries, xq, side='left')
    idx_right = jnp.searchsorted(boundaries, xq, side='right')
    idx = jnp.where(right != 0, idx_right, idx_left)
    idx = jnp.where(out_int32 != 0, idx, idx)
    dt = jnp.int32
    return idx.astype(dt)

if __name__ == "__main__":
    import jax
    _d = setup_inputs()
    print(jax.jit(kernel)(*tuple(_d.values())))

</pallas_src>

<mosaic_0001>
#map = affine_map<(d0, d1) -> (0)>
module attributes {stable_mosaic.version = 14 : i64} {
  func.func @_search(%arg0: i32, %arg1: i32, %arg2: memref<16xf32, #tpu.memory_space<hbm>>, %arg3: memref<8388608xf32, #tpu.memory_space<hbm>>, %arg4: memref<16xi32, #tpu.memory_space<hbm>>, %arg5: memref<128xi32, #tpu.memory_space<vmem>>, %arg6: memref<128xf32, #tpu.memory_space<vmem>>, %arg7: memref<1024xf32, #tpu.memory_space<vmem>>, %arg8: memref<16xf32, #tpu.memory_space<vmem>>, %arg9: memref<16xi32, #tpu.memory_space<vmem>>, %arg10: memref<!tpu.dma_semaphore, #tpu.memory_space<semaphore_mem>>, %arg11: memref<!tpu.dma_semaphore, #tpu.memory_space<semaphore_mem>>) attributes {dimension_semantics = [#tpu.dimension_semantics<core_parallel>, #tpu.dimension_semantics<subcore_parallel>], iteration_bounds = array<i64: 1, 1>, scalar_prefetch = 0 : i64, scratch_operands = 7 : i64, tpu.core_type = #tpu.core_type<sc_vector_subcore>, window_params = [{transform_indices = #map}, {transform_indices = #map}, {transform_indices = #map}]} {
    %eq3A = arith.constant 0 : i32
    %eq3A_0 = arith.cmpi eq, %arg0, %eq3A : i32
    %eq3A_1 = arith.constant 0 : i32
    %eq3A_2 = arith.cmpi eq, %arg1, %eq3A_1 : i32
    %and3A = arith.andi %eq3A_0, %eq3A_2 : i1
    %convert_element_type3A = arith.extui %and3A : i1 to i32
    %cond3A = arith.constant 0 : i32
    %cond3A_3 = arith.cmpi ne, %convert_element_type3A, %cond3A : i32
    scf.if %cond3A_3 {
      %iota3A = tpu.iota {dimensions = array<i32: 0>} : vector<16xi32>
      %broadcast_in_dim3A = arith.constant 1 : i32
      %broadcast_in_dim3A_4 = vector.broadcast %broadcast_in_dim3A : i32 to vector<16xi32>
      %broadcast_in_dim3A_5 = arith.constant 0 : i32
      %broadcast_in_dim3A_6 = vector.broadcast %broadcast_in_dim3A_5 : i32 to vector<16xi32>
      %add3A = arith.constant 0 : i32
      %add3A_7 = vector.broadcast %add3A : i32 to vector<16xi32>
      %add3A_8 = arith.addi %add3A_7, %iota3A : vector<16xi32>
      %mul3A = arith.constant 65536 : i32
      %mul3A_9 = vector.broadcast %mul3A : i32 to vector<16xi32>
      %mul3A_10 = arith.muli %add3A_8, %mul3A_9 : vector<16xi32>
      %swap3A = arith.constant 0 : index
      %swap3A_11 = tpu.vector_load %arg5[%swap3A] {strides = array<i32>} : memref<128xi32, #tpu.memory_space<vmem>>, vector<16xi32>,
      %swap3A_12 = vector.shape_cast %swap3A_11 : vector<16xi32> to vector<16xi32>
      %swap3A_13 = vector.shape_cast %mul3A_10 : vector<16xi32> to vector<16xi32>
      tpu.vector_store %arg5[%swap3A], %swap3A_13 {strides = array<i32>} : memref<128xi32, #tpu.memory_space<vmem>>, vector<16xi32>,
      %add3A_14 = arith.constant 16 : i32
      %add3A_15 = vector.broadcast %add3A_14 : i32 to vector<16xi32>
      %add3A_16 = arith.addi %add3A_15, %iota3A : vector<16xi32>
      %mul3A_17 = arith.constant 65536 : i32
      %mul3A_18 = vector.broadcast %mul3A_17 : i32 to vector<16xi32>
      %mul3A_19 = arith.muli %add3A_16, %mul3A_18 : vector<16xi32>
      %swap3A_20 = arith.constant 16 : index
      %swap3A_21 = tpu.vector_load %arg5[%swap3A_20] {strides = array<i32>} : memref<128xi32, #tpu.memory_space<vmem>>, vector<16xi32>,
      %swap3A_22 = vector.shape_cast %swap3A_21 : vector<16xi32> to vector<16xi32>
      %swap3A_23 = vector.shape_cast %mul3A_19 : vector<16xi32> to vector<16xi32>
      tpu.vector_store %arg5[%swap3A_20], %swap3A_23 {strides = array<i32>} : memref<128xi32, #tpu.memory_space<vmem>>, vector<16xi32>,
      %add3A_24 = arith.constant 32 : i32
      %add3A_25 = vector.broadcast %add3A_24 : i32 to vector<16xi32>
      %add3A_26 = arith.addi %add3A_25, %iota3A : vector<16xi32>
      %mul3A_27 = arith.constant 65536 : i32
      %mul3A_28 = vector.broadcast %mul3A_27 : i32 to vector<16xi32>
      %mul3A_29 = arith.muli %add3A_26, %mul3A_28 : vector<16xi32>
      %swap3A_30 = arith.constant 32 : index
      %swap3A_31 = tpu.vector_load %arg5[%swap3A_30] {strides = array<i32>} : memref<128xi32, #tpu.memory_space<vmem>>, vector<16xi32>,
      %swap3A_32 = vector.shape_cast %swap3A_31 : vector<16xi32> to vector<16xi32>
      %swap3A_33 = vector.shape_cast %mul3A_29 : vector<16xi32> to vector<16xi32>
      tpu.vector_store %arg5[%swap3A_30], %swap3A_33 {strides = array<i32>} : memref<128xi32, #tpu.memory_space<vmem>>, vector<16xi32>,
      %add3A_34 = arith.constant 48 : i32
      %add3A_35 = vector.broadcast %add3A_34 : i32 to vector<16xi32>
      %add3A_36 = arith.addi %add3A_35, %iota3A : vector<16xi32>
      %mul3A_37 = arith.constant 65536 : i32
      %mul3A_38 = vector.broadcast %mul3A_37 : i32 to vector<16xi32>
      %mul3A_39 = arith.muli %add3A_36, %mul3A_38 : vector<16xi32>
      %swap3A_40 = arith.constant 48 : index
      %swap3A_41 = tpu.vector_load %arg5[%swap3A_40] {strides = array<i32>} : memref<128xi32, #tpu.memory_space<vmem>>, vector<16xi32>,
      %swap3A_42 = vector.shape_cast %swap3A_41 : vector<16xi32> to vector<16xi32>
      %swap3A_43 = vector.shape_cast %mul3A_39 : vector<16xi32> to vector<16xi32>
      tpu.vector_store %arg5[%swap3A_40], %swap3A_43 {strides = array<i32>} : memref<128xi32, #tpu.memory_space<vmem>>, vector<16xi32>,
      %add3A_44 = arith.constant 64 : i32
      %add3A_45 = vector.broadcast %add3A_44 : i32 to vector<16xi32>
      %add3A_46 = arith.addi %add3A_45, %iota3A : vector<16xi32>
      %mul3A_47 = arith.constant 65536 : i32
      %mul3A_48 = vector.broadcast %mul3A_47 : i32 to vector<16xi32>
      %mul3A_49 = arith.muli %add3A_46, %mul3A_48 : vector<16xi32>
      %swap3A_50 = arith.constant 64 : index
      %swap3A_51 = tpu.vector_load %arg5[%swap3A_50] {strides = array<i32>} : memref<128xi32, #tpu.memory_space<vmem>>, vector<16xi32>,
      %swap3A_52 = vector.shape_cast %swap3A_51 : vector<16xi32> to vector<16xi32>
      %swap3A_53 = vector.shape_cast %mul3A_49 : vector<16xi32> to vector<16xi32>
      tpu.vector_store %arg5[%swap3A_50], %swap3A_53 {strides = array<i32>} : memref<128xi32, #tpu.memory_space<vmem>>, vector<16xi32>,
      %add3A_54 = arith.constant 80 : i32
      %add3A_55 = vector.broadcast %add3A_54 : i32 to vector<16xi32>
      %add3A_56 = arith.addi %add3A_55, %iota3A : vector<16xi32>
      %mul3A_57 = arith.constant 65536 : i32
      %mul3A_58 = vector.broadcast %mul3A_57 : i32 to vector<16xi32>
      %mul3A_59 = arith.muli %add3A_56, %mul3A_58 : vector<16xi32>
      %swap3A_60 = arith.constant 80 : index
      %swap3A_61 = tpu.vector_load %arg5[%swap3A_60] {strides = array<i32>} : memref<128xi32, #tpu.memory_space<vmem>>, vector<16xi32>,
      %swap3A_62 = vector.shape_cast %swap3A_61 : vector<16xi32> to vector<16xi32>
      %swap3A_63 = vector.shape_cast %mul3A_59 : vector<16xi32> to vector<16xi32>
      tpu.vector_store %arg5[%swap3A_60], %swap3A_63 {strides = array<i32>} : memref<128xi32, #tpu.memory_space<vmem>>, vector<16xi32>,
      %add3A_64 = arith.constant 96 : i32
      %add3A_65 = vector.broadcast %add3A_64 : i32 to vector<16xi32>
      %add3A_66 = arith.addi %add3A_65, %iota3A : vector<16xi32>
      %mul3A_67 = arith.constant 65536 : i32
      %mul3A_68 = vector.broadcast %mul3A_67 : i32 to vector<16xi32>
      %mul3A_69 = arith.muli %add3A_66, %mul3A_68 : vector<16xi32>
      %swap3A_70 = arith.constant 96 : index
      %swap3A_71 = tpu.vector_load %arg5[%swap3A_70] {strides = array<i32>} : memref<128xi32, #tpu.memory_space<vmem>>, vector<16xi32>,
      %swap3A_72 = vector.shape_cast %swap3A_71 : vector<16xi32> to vector<16xi32>
      %swap3A_73 = vector.shape_cast %mul3A_69 : vector<16xi32> to vector<16xi32>
      tpu.vector_store %arg5[%swap3A_70], %swap3A_73 {strides = array<i32>} : memref<128xi32, #tpu.memory_space<vmem>>, vector<16xi32>,
      %add3A_74 = arith.constant 112 : i32
      %add3A_75 = vector.broadcast %add3A_74 : i32 to vector<16xi32>
      %add3A_76 = arith.addi %add3A_75, %iota3A : vector<16xi32>
      %mul3A_77 = arith.constant 65536 : i32
      %mul3A_78 = vector.broadcast %mul3A_77 : i32 to vector<16xi32>
      %mul3A_79 = arith.muli %add3A_76, %mul3A_78 : vector<16xi32>
      %swap3A_80 = arith.constant 112 : index
      %swap3A_81 = tpu.vector_load %arg5[%swap3A_80] {strides = array<i32>} : memref<128xi32, #tpu.memory_space<vmem>>, vector<16xi32>,
      %swap3A_82 = vector.shape_cast %swap3A_81 : vector<16xi32> to vector<16xi32>
      %swap3A_83 = vector.shape_cast %mul3A_79 : vector<16xi32> to vector<16xi32>
      tpu.vector_store %arg5[%swap3A_80], %swap3A_83 {strides = array<i32>} : memref<128xi32, #tpu.memory_space<vmem>>, vector<16xi32>,
      %dma_start3A = arith.constant 0 : i32
      %dma_start3A_84 = tpu.memref_slice %arg3[%dma_start3A] : memref<8388608xf32, #tpu.memory_space<hbm>> -> memref<8388608xf32, #tpu.memory_space<hbm>>
      tpu.enqueue_indirect_dma source(%dma_start3A_84 : memref<8388608xf32, #tpu.memory_space<hbm>>) target(%arg6 : memref<128xf32, #tpu.memory_space<vmem>>) offsets(%arg5 : memref<128xi32, #tpu.memory_space<vmem>>) semaphore(%arg10 : memref<!tpu.dma_semaphore, #tpu.memory_space<semaphore_mem>>)
      tpu.enqueue_dma source(%arg2 : memref<16xf32, #tpu.memory_space<hbm>>) target(%arg8 : memref<16xf32, #tpu.memory_space<vmem>>) target_semaphore(%arg11 : memref<!tpu.dma_semaphore, #tpu.memory_space<semaphore_mem>>)
      tpu.wait_dma2 semaphore(%arg11 : memref<!tpu.dma_semaphore, #tpu.memory_space<semaphore_mem>>) src(%arg2 : memref<16xf32, #tpu.memory_space<hbm>>) dst(%arg8 : memref<16xf32, #tpu.memory_space<vmem>>)
      %get3A = arith.constant 0 : index
      %get3A_85 = tpu.vector_load %arg8[%get3A] {strides = array<i32>} : memref<16xf32, #tpu.memory_space<vmem>>, vector<16xf32>,
      %get3A_86 = vector.shape_cast %get3A_85 : vector<16xf32> to vector<16xf32>
      %slice3A = vector.extract_strided_slice %get3A_86 {offsets = [0], sizes = [1], strides = [1]} : vector<16xf32> to vector<1xf32>
      %squeeze3A = vector.extract %slice3A[0] : f32 from vector<1xf32>
      %dma_wait3A = arith.constant 0 : i32
      %dma_wait3A_87 = tpu.memref_slice %arg3[%dma_wait3A] : memref<8388608xf32, #tpu.memory_space<hbm>> -> memref<8388608xf32, #tpu.memory_space<hbm>>
      tpu.wait_indirect_dma semaphore(%arg10 : memref<!tpu.dma_semaphore, #tpu.memory_space<semaphore_mem>>) src(%dma_wait3A_87 : memref<8388608xf32, #tpu.memory_space<hbm>>) dst(%arg6 : memref<128xf32, #tpu.memory_space<vmem>>)
      %add3A_88 = arith.constant 0 : i32
      %add3A_89 = arith.constant 48 : i32
      %add3A_90 = arith.addi %add3A_88, %add3A_89 : i32
      %get3A_91 = arith.index_cast %add3A_90 : i32 to index
      %get3A_92 = tpu.vector_load %arg6[%get3A_91] {strides = array<i32>} : memref<128xf32, #tpu.memory_space<vmem>>, vector<16xf32>,
      %get3A_93 = vector.shape_cast %get3A_92 : vector<16xf32> to vector<16xf32>
      %slice3A_94 = vector.extract_strided_slice %get3A_93 {offsets = [15], sizes = [1], strides = [1]} : vector<16xf32> to vector<1xf32>
      %squeeze3A_95 = vector.extract %slice3A_94[0] : f32 from vector<1xf32>
      %lt3A = arith.cmpf olt, %squeeze3A_95, %squeeze3A : f32
      %jit3A = arith.constant 64 : i32
      %jit3A_96 = arith.constant 0 : i32
      %select_n3A = arith.select %lt3A, %jit3A, %jit3A_96 : i32
      %add3A_97 = arith.constant 0 : i32
      %add3A_98 = arith.addi %add3A_97, %select_n3A : i32
      %add3A_99 = arith.constant 16 : i32
      %add3A_100 = arith.addi %add3A_98, %add3A_99 : i32
      %get3A_101 = arith.index_cast %add3A_100 : i32 to index
      %get3A_102 = tpu.vector_load %arg6[%get3A_101] {strides = array<i32>} : memref<128xf32, #tpu.memory_space<vmem>>, vector<16xf32>,
      %get3A_103 = vector.shape_cast %get3A_102 : vector<16xf32> to vector<16xf32>
      %slice3A_104 = vector.extract_strided_slice %get3A_103 {offsets = [15], sizes = [1], strides = [1]} : vector<16xf32> to vector<1xf32>
      %squeeze3A_105 = vector.extract %slice3A_104[0] : f32 from vector<1xf32>
      %lt3A_106 = arith.cmpf olt, %squeeze3A_105, %squeeze3A : f32
      %jit3A_107 = arith.constant 32 : i32
      %jit3A_108 = arith.constant 0 : i32
      %select_n3A_109 = arith.select %lt3A_106, %jit3A_107, %jit3A_108 : i32
      %add3A_110 = arith.addi %add3A_98, %select_n3A_109 : i32
      %add3A_111 = arith.constant 0 : i32
      %add3A_112 = arith.addi %add3A_110, %add3A_111 : i32
      %get3A_113 = arith.index_cast %add3A_112 : i32 to index
      %get3A_114 = tpu.vector_load %arg6[%get3A_113] {strides = array<i32>} : memref<128xf32, #tpu.memory_space<vmem>>, vector<16xf32>,
      %get3A_115 = vector.shape_cast %get3A_114 : vector<16xf32> to vector<16xf32>
      %slice3A_116 = vector.extract_strided_slice %get3A_115 {offsets = [15], sizes = [1], strides = [1]} : vector<16xf32> to vector<1xf32>
      %squeeze3A_117 = vector.extract %slice3A_116[0] : f32 from vector<1xf32>
      %lt3A_118 = arith.cmpf olt, %squeeze3A_117, %squeeze3A : f32
      %jit3A_119 = arith.constant 16 : i32
      %jit3A_120 = arith.constant 0 : i32
      %select_n3A_121 = arith.select %lt3A_118, %jit3A_119, %jit3A_120 : i32
      %add3A_122 = arith.addi %add3A_110, %select_n3A_121 : i32
      %get3A_123 = arith.index_cast %add3A_122 : i32 to index
      %get3A_124 = tpu.vector_load %arg6[%get3A_123] {strides = array<i32>} : memref<128xf32, #tpu.memory_space<vmem>>, vector<16xf32>,
      %get3A_125 = vector.shape_cast %get3A_124 : vector<16xf32> to vector<16xf32>
      %lt3A_126 = arith.cmpf olt, %get3A_125, %get3A_86 : vector<16xf32>
      %select_n3A_127 = arith.select %lt3A_126, %broadcast_in_dim3A_4, %broadcast_in_dim3A_6 : vector<16xi1>, vector<16xi32>
      %slice3A_128 = vector.extract_strided_slice %select_n3A_127 {offsets = [0], sizes = [1], strides = [1]} : vector<16xi32> to vector<1xi32>
      %squeeze3A_129 = vector.extract %slice3A_128[0] : i32 from vector<1xi32>
      %slice3A_130 = vector.extract_strided_slice %select_n3A_127 {offsets = [1], sizes = [1], strides = [1]} : vector<16xi32> to vector<1xi32>
      %squeeze3A_131 = vector.extract %slice3A_130[0] : i32 from vector<1xi32>
      %slice3A_132 = vector.extract_strided_slice %select_n3A_127 {offsets = [2], sizes = [1], strides = [1]} : vector<16xi32> to vector<1xi32>
      %squeeze3A_133 = vector.extract %slice3A_132[0] : i32 from vector<1xi32>
      %slice3A_134 = vector.extract_strided_slice %select_n3A_127 {offsets = [3], sizes = [1], strides = [1]} : vector<16xi32> to vector<1xi32>
      %squeeze3A_135 = vector.extract %slice3A_134[0] : i32 from vector<1xi32>
      %slice3A_136 = vector.extract_strided_slice %select_n3A_127 {offsets = [4], sizes = [1], strides = [1]} : vector<16xi32> to vector<1xi32>
      %squeeze3A_137 = vector.extract %slice3A_136[0] : i32 from vector<1xi32>
      %slice3A_138 = vector.extract_strided_slice %select_n3A_127 {offsets = [5], sizes = [1], strides = [1]} : vector<16xi32> to vector<1xi32>
      %squeeze3A_139 = vector.extract %slice3A_138[0] : i32 from vector<1xi32>
      %slice3A_140 = vector.extract_strided_slice %select_n3A_127 {offsets = [6], sizes = [1], strides = [1]} : vector<16xi32> to vector<1xi32>
      %squeeze3A_141 = vector.extract %slice3A_140[0] : i32 from vector<1xi32>
      %slice3A_142 = vector.extract_strided_slice %select_n3A_127 {offsets = [7], sizes = [1], strides = [1]} : vector<16xi32> to vector<1xi32>
      %squeeze3A_143 = vector.extract %slice3A_142[0] : i32 from vector<1xi32>
      %slice3A_144 = vector.extract_strided_slice %select_n3A_127 {offsets = [8], sizes = [1], strides = [1]} : vector<16xi32> to vector<1xi32>
      %squeeze3A_145 = vector.extract %slice3A_144[0] : i32 from vector<1xi32>
      %slice3A_146 = vector.extract_strided_slice %select_n3A_127 {offsets = [9], sizes = [1], strides = [1]} : vector<16xi32> to vector<1xi32>
      %squeeze3A_147 = vector.extract %slice3A_146[0] : i32 from vector<1xi32>
      %slice3A_148 = vector.extract_strided_slice %select_n3A_127 {offsets = [10], sizes = [1], strides = [1]} : vector<16xi32> to vector<1xi32>
      %squeeze3A_149 = vector.extract %slice3A_148[0] : i32 from vector<1xi32>
      %slice3A_150 = vector.extract_strided_slice %select_n3A_127 {offsets = [11], sizes = [1], strides = [1]} : vector<16xi32> to vector<1xi32>
      %squeeze3A_151 = vector.extract %slice3A_150[0] : i32 from vector<1xi32>
      %slice3A_152 = vector.extract_strided_slice %select_n3A_127 {offsets = [12], sizes = [1], strides = [1]} : vector<16xi32> to vector<1xi32>
      %squeeze3A_153 = vector.extract %slice3A_152[0] : i32 from vector<1xi32>
      %slice3A_154 = vector.extract_strided_slice %select_n3A_127 {offsets = [13], sizes = [1], strides = [1]} : vector<16xi32> to vector<1xi32>
      %squeeze3A_155 = vector.extract %slice3A_154[0] : i32 from vector<1xi32>
      %slice3A_156 = vector.extract_strided_slice %select_n3A_127 {offsets = [14], sizes = [1], strides = [1]} : vector<16xi32> to vector<1xi32>
      %squeeze3A_157 = vector.extract %slice3A_156[0] : i32 from vector<1xi32>
      %slice3A_158 = vector.extract_strided_slice %select_n3A_127 {offsets = [15], sizes = [1], strides = [1]} : vector<16xi32> to vector<1xi32>
      %squeeze3A_159 = vector.extract %slice3A_158[0] : i32 from vector<1xi32>
      %add3A_160 = arith.addi %squeeze3A_129, %squeeze3A_131 : i32
      %add3A_161 = arith.addi %squeeze3A_133, %squeeze3A_135 : i32
      %add3A_162 = arith.addi %squeeze3A_137, %squeeze3A_139 : i32
      %add3A_163 = arith.addi %squeeze3A_141, %squeeze3A_143 : i32
      %add3A_164 = arith.addi %squeeze3A_145, %squeeze3A_147 : i32
      %add3A_165 = arith.addi %squeeze3A_149, %squeeze3A_151 : i32
      %add3A_166 = arith.addi %squeeze3A_153, %squeeze3A_155 : i32
      %add3A_167 = arith.addi %squeeze3A_157, %squeeze3A_159 : i32
      %add3A_168 = arith.addi %add3A_160, %add3A_161 : i32
      %add3A_169 = arith.addi %add3A_162, %add3A_163 : i32
      %add3A_170 = arith.addi %add3A_164, %add3A_165 : i32
      %add3A_171 = arith.addi %add3A_166, %add3A_167 : i32
      %add3A_172 = arith.addi %add3A_168, %add3A_169 : i32
      %add3A_173 = arith.addi %add3A_170, %add3A_171 : i32
      %add3A_174 = arith.addi %add3A_172, %add3A_173 : i32
      %add3A_175 = arith.addi %add3A_122, %add3A_174 : i32
      %sub3A = arith.constant 1 : i32
      %sub3A_176 = arith.subi %add3A_175, %sub3A : i32
      %max3A = arith.constant 0 : i32
      %max3A_177 = arith.maxsi %sub3A_176, %max3A : i32
      %mul3A_178 = arith.constant 65536 : i32
      %mul3A_179 = arith.muli %max3A_177, %mul3A_178 : i32
      %broadcast_in_dim3A_180 = vector.broadcast %mul3A_179 : i32 to vector<16xi32>
      %add3A_181 = arith.constant 0 : i32
      %add3A_182 = vector.broadcast %add3A_181 : i32 to vector<16xi32>
      %add3A_183 = arith.addi %add3A_182, %iota3A : vector<16xi32>
      %mul3A_184 = arith.constant 1024 : i32
      %mul3A_185 = vector.broadcast %mul3A_184 : i32 to vector<16xi32>
      %mul3A_186 = arith.muli %add3A_183, %mul3A_185 : vector<16xi32>
      %add3A_187 = arith.addi %broadcast_in_dim3A_180, %mul3A_186 : vector<16xi32>
      %swap3A_188 = arith.constant 0 : index
      %swap3A_189 = tpu.vector_load %arg5[%swap3A_188] {strides = array<i32>} : memref<128xi32, #tpu.memory_space<vmem>>, vector<16xi32>,
      %swap3A_190 = vector.shape_cast %swap3A_189 : vector<16xi32> to vector<16xi32>
      %swap3A_191 = vector.shape_cast %add3A_187 : vector<16xi32> to vector<16xi32>
      tpu.vector_store %arg5[%swap3A_188], %swap3A_191 {strides = array<i32>} : memref<128xi32, #tpu.memory_space<vmem>>, vector<16xi32>,
      %add3A_192 = arith.constant 16 : i32
      %add3A_193 = vector.broadcast %add3A_192 : i32 to vector<16xi32>
      %add3A_194 = arith.addi %add3A_193, %iota3A : vector<16xi32>
      %mul3A_195 = arith.constant 1024 : i32
      %mul3A_196 = vector.broadcast %mul3A_195 : i32 to vector<16xi32>
      %mul3A_197 = arith.muli %add3A_194, %mul3A_196 : vector<16xi32>
      %add3A_198 = arith.addi %broadcast_in_dim3A_180, %mul3A_197 : vector<16xi32>
      %swap3A_199 = arith.constant 16 : index
      %swap3A_200 = tpu.vector_load %arg5[%swap3A_199] {strides = array<i32>} : memref<128xi32, #tpu.memory_space<vmem>>, vector<16xi32>,
      %swap3A_201 = vector.shape_cast %swap3A_200 : vector<16xi32> to vector<16xi32>
      %swap3A_202 = vector.shape_cast %add3A_198 : vector<16xi32> to vector<16xi32>
      tpu.vector_store %arg5[%swap3A_199], %swap3A_202 {strides = array<i32>} : memref<128xi32, #tpu.memory_space<vmem>>, vector<16xi32>,
      %add3A_203 = arith.constant 32 : i32
      %add3A_204 = vector.broadcast %add3A_203 : i32 to vector<16xi32>
      %add3A_205 = arith.addi %add3A_204, %iota3A : vector<16xi32>
      %mul3A_206 = arith.constant 1024 : i32
      %mul3A_207 = vector.broadcast %mul3A_206 : i32 to vector<16xi32>
      %mul3A_208 = arith.muli %add3A_205, %mul3A_207 : vector<16xi32>
      %add3A_209 = arith.addi %broadcast_in_dim3A_180, %mul3A_208 : vector<16xi32>
      %swap3A_210 = arith.constant 32 : index
      %swap3A_211 = tpu.vector_load %arg5[%swap3A_210] {strides = array<i32>} : memref<128xi32, #tpu.memory_space<vmem>>, vector<16xi32>,
      %swap3A_212 = vector.shape_cast %swap3A_211 : vector<16xi32> to vector<16xi32>
      %swap3A_213 = vector.shape_cast %add3A_209 : vector<16xi32> to vector<16xi32>
      tpu.vector_store %arg5[%swap3A_210], %swap3A_213 {strides = array<i32>} : memref<128xi32, #tpu.memory_space<vmem>>, vector<16xi32>,
      %add3A_214 = arith.constant 48 : i32
      %add3A_215 = vector.broadcast %add3A_214 : i32 to vector<16xi32>
      %add3A_216 = arith.addi %add3A_215, %iota3A : vector<16xi32>
      %mul3A_217 = arith.constant 1024 : i32
      %mul3A_218 = vector.broadcast %mul3A_217 : i32 to vector<16xi32>
      %mul3A_219 = arith.muli %add3A_216, %mul3A_218 : vector<16xi32>
      %add3A_220 = arith.addi %broadcast_in_dim3A_180, %mul3A_219 : vector<16xi32>
      %swap3A_221 = arith.constant 48 : index
      %swap3A_222 = tpu.vector_load %arg5[%swap3A_221] {strides = array<i32>} : memref<128xi32, #tpu.memory_space<vmem>>, vector<16xi32>,
      %swap3A_223 = vector.shape_cast %swap3A_222 : vector<16xi32> to vector<16xi32>
      %swap3A_224 = vector.shape_cast %add3A_220 : vector<16xi32> to vector<16xi32>
      tpu.vector_store %arg5[%swap3A_221], %swap3A_224 {strides = array<i32>} : memref<128xi32, #tpu.memory_space<vmem>>, vector<16xi32>,
      %dma_start3A_225 = arith.constant 0 : i32
      %dma_start3A_226 = tpu.memref_slice %arg6[%dma_start3A_225] : memref<128xf32, #tpu.memory_space<vmem>> -> memref<64xf32, #tpu.memory_space<vmem>>
      %dma_start3A_227 = arith.constant 0 : i32
      %dma_start3A_228 = tpu.memref_slice %arg5[%dma_start3A_227] : memref<128xi32, #tpu.memory_space<vmem>> -> memref<64xi32, #tpu.memory_space<vmem>>
      %dma_start3A_229 = arith.constant 0 : i32
      %dma_start3A_230 = tpu.memref_slice %arg3[%dma_start3A_229] : memref<8388608xf32, #tpu.memory_space<hbm>> -> memref<8388608xf32, #tpu.memory_space<hbm>>
      tpu.enqueue_indirect_dma source(%dma_start3A_230 : memref<8388608xf32, #tpu.memory_space<hbm>>) target(%dma_start3A_226 : memref<64xf32, #tpu.memory_space<vmem>>) offsets(%dma_start3A_228 : memref<64xi32, #tpu.memory_space<vmem>>) semaphore(%arg10 : memref<!tpu.dma_semaphore, #tpu.memory_space<semaphore_mem>>)
      %dma_wait3A_231 = arith.constant 0 : i32
      %dma_wait3A_232 = tpu.memref_slice %arg6[%dma_wait3A_231] : memref<128xf32, #tpu.memory_space<vmem>> -> memref<64xf32, #tpu.memory_space<vmem>>
      %dma_wait3A_233 = arith.constant 0 : i32
      %dma_wait3A_234 = tpu.memref_slice %arg5[%dma_wait3A_233] : memref<128xi32, #tpu.memory_space<vmem>> -> memref<64xi32, #tpu.memory_space<vmem>>
      %dma_wait3A_235 = arith.constant 0 : i32
      %dma_wait3A_236 = tpu.memref_slice %arg3[%dma_wait3A_235] : memref<8388608xf32, #tpu.memory_space<hbm>> -> memref<8388608xf32, #tpu.memory_space<hbm>>
      tpu.wait_indirect_dma semaphore(%arg10 : memref<!tpu.dma_semaphore, #tpu.memory_space<semaphore_mem>>) src(%dma_wait3A_236 : memref<8388608xf32, #tpu.memory_space<hbm>>) dst(%dma_wait3A_232 : memref<64xf32, #tpu.memory_space<vmem>>)
      %add3A_237 = arith.constant 0 : i32
      %add3A_238 = arith.constant 16 : i32
      %add3A_239 = arith.addi %add3A_237, %add3A_238 : i32
      %get3A_240 = arith.index_cast %add3A_239 : i32 to index
      %get3A_241 = tpu.vector_load %arg6[%get3A_240] {strides = array<i32>} : memref<128xf32, #tpu.memory_space<vmem>>, vector<16xf32>,
      %get3A_242 = vector.shape_cast %get3A_241 : vector<16xf32> to vector<16xf32>
      %slice3A_243 = vector.extract_strided_slice %get3A_242 {offsets = [15], sizes = [1], strides = [1]} : vector<16xf32> to vector<1xf32>
      %squeeze3A_244 = vector.extract %slice3A_243[0] : f32 from vector<1xf32>
      %lt3A_245 = arith.cmpf olt, %squeeze3A_244, %squeeze3A : f32
      %jit3A_246 = arith.constant 32 : i32
      %jit3A_247 = arith.constant 0 : i32
      %select_n3A_248 = arith.select %lt3A_245, %jit3A_246, %jit3A_247 : i32
      %add3A_249 = arith.constant 0 : i32
      %add3A_250 = arith.addi %add3A_249, %select_n3A_248 : i32
      %add3A_251 = arith.constant 0 : i32
      %add3A_252 = arith.addi %add3A_250, %add3A_251 : i32
      %get3A_253 = arith.index_cast %add3A_252 : i32 to index
      %get3A_254 = tpu.vector_load %arg6[%get3A_253] {strides = array<i32>} : memref<128xf32, #tpu.memory_space<vmem>>, vector<16xf32>,
      %get3A_255 = vector.shape_cast %get3A_254 : vector<16xf32> to vector<16xf32>
      %slice3A_256 = vector.extract_strided_slice %get3A_255 {offsets = [15], sizes = [1], strides = [1]} : vector<16xf32> to vector<1xf32>
      %squeeze3A_257 = vector.extract %slice3A_256[0] : f32 from vector<1xf32>
      %lt3A_258 = arith.cmpf olt, %squeeze3A_257, %squeeze3A : f32
      %jit3A_259 = arith.constant 16 : i32
      %jit3A_260 = arith.constant 0 : i32
      %select_n3A_261 = arith.select %lt3A_258, %jit3A_259, %jit3A_260 : i32
      %add3A_262 = arith.addi %add3A_250, %select_n3A_261 : i32
      %get3A_263 = arith.index_cast %add3A_262 : i32 to index
      %get3A_264 = tpu.vector_load %arg6[%get3A_263] {strides = array<i32>} : memref<128xf32, #tpu.memory_space<vmem>>, vector<16xf32>,
      %get3A_265 = vector.shape_cast %get3A_264 : vector<16xf32> to vector<16xf32>
      %lt3A_266 = arith.cmpf olt, %get3A_265, %get3A_86 : vector<16xf32>
      %select_n3A_267 = arith.select %lt3A_266, %broadcast_in_dim3A_4, %broadcast_in_dim3A_6 : vector<16xi1>, vector<16xi32>
      %slice3A_268 = vector.extract_strided_slice %select_n3A_267 {offsets = [0], sizes = [1], strides = [1]} : vector<16xi32> to vector<1xi32>
      %squeeze3A_269 = vector.extract %slice3A_268[0] : i32 from vector<1xi32>
      %slice3A_270 = vector.extract_strided_slice %select_n3A_267 {offsets = [1], sizes = [1], strides = [1]} : vector<16xi32> to vector<1xi32>
      %squeeze3A_271 = vector.extract %slice3A_270[0] : i32 from vector<1xi32>
      %slice3A_272 = vector.extract_strided_slice %select_n3A_267 {offsets = [2], sizes = [1], strides = [1]} : vector<16xi32> to vector<1xi32>
      %squeeze3A_273 = vector.extract %slice3A_272[0] : i32 from vector<1xi32>
      %slice3A_274 = vector.extract_strided_slice %select_n3A_267 {offsets = [3], sizes = [1], strides = [1]} : vector<16xi32> to vector<1xi32>
      %squeeze3A_275 = vector.extract %slice3A_274[0] : i32 from vector<1xi32>
      %slice3A_276 = vector.extract_strided_slice %select_n3A_267 {offsets = [4], sizes = [1], strides = [1]} : vector<16xi32> to vector<1xi32>
      %squeeze3A_277 = vector.extract %slice3A_276[0] : i32 from vector<1xi32>
      %slice3A_278 = vector.extract_strided_slice %select_n3A_267 {offsets = [5], sizes = [1], strides = [1]} : vector<16xi32> to vector<1xi32>
      %squeeze3A_279 = vector.extract %slice3A_278[0] : i32 from vector<1xi32>
      %slice3A_280 = vector.extract_strided_slice %select_n3A_267 {offsets = [6], sizes = [1], strides = [1]} : vector<16xi32> to vector<1xi32>
      %squeeze3A_281 = vector.extract %slice3A_280[0] : i32 from vector<1xi32>
      %slice3A_282 = vector.extract_strided_slice %select_n3A_267 {offsets = [7], sizes = [1], strides = [1]} : vector<16xi32> to vector<1xi32>
      %squeeze3A_283 = vector.extract %slice3A_282[0] : i32 from vector<1xi32>
      %slice3A_284 = vector.extract_strided_slice %select_n3A_267 {offsets = [8], sizes = [1], strides = [1]} : vector<16xi32> to vector<1xi32>
      %squeeze3A_285 = vector.extract %slice3A_284[0] : i32 from vector<1xi32>
      %slice3A_286 = vector.extract_strided_slice %select_n3A_267 {offsets = [9], sizes = [1], strides = [1]} : vector<16xi32> to vector<1xi32>
      %squeeze3A_287 = vector.extract %slice3A_286[0] : i32 from vector<1xi32>
      %slice3A_288 = vector.extract_strided_slice %select_n3A_267 {offsets = [10], sizes = [1], strides = [1]} : vector<16xi32> to vector<1xi32>
      %squeeze3A_289 = vector.extract %slice3A_288[0] : i32 from vector<1xi32>
      %slice3A_290 = vector.extract_strided_slice %select_n3A_267 {offsets = [11], sizes = [1], strides = [1]} : vector<16xi32> to vector<1xi32>
      %squeeze3A_291 = vector.extract %slice3A_290[0] : i32 from vector<1xi32>
      %slice3A_292 = vector.extract_strided_slice %select_n3A_267 {offsets = [12], sizes = [1], strides = [1]} : vector<16xi32> to vector<1xi32>
      %squeeze3A_293 = vector.extract %slice3A_292[0] : i32 from vector<1xi32>
      %slice3A_294 = vector.extract_strided_slice %select_n3A_267 {offsets = [13], sizes = [1], strides = [1]} : vector<16xi32> to vector<1xi32>
      %squeeze3A_295 = vector.extract %slice3A_294[0] : i32 from vector<1xi32>
      %slice3A_296 = vector.extract_strided_slice %select_n3A_267 {offsets = [14], sizes = [1], strides = [1]} : vector<16xi32> to vector<1xi32>
      %squeeze3A_297 = vector.extract %slice3A_296[0] : i32 from vector<1xi32>
      %slice3A_298 = vector.extract_strided_slice %select_n3A_267 {offsets = [15], sizes = [1], strides = [1]} : vector<16xi32> to vector<1xi32>
      %squeeze3A_299 = vector.extract %slice3A_298[0] : i32 from vector<1xi32>
      %add3A_300 = arith.addi %squeeze3A_269, %squeeze3A_271 : i32
      %add3A_301 = arith.addi %squeeze3A_273, %squeeze3A_275 : i32
      %add3A_302 = arith.addi %squeeze3A_277, %squeeze3A_279 : i32
      %add3A_303 = arith.addi %squeeze3A_281, %squeeze3A_283 : i32
      %add3A_304 = arith.addi %squeeze3A_285, %squeeze3A_287 : i32
      %add3A_305 = arith.addi %squeeze3A_289, %squeeze3A_291 : i32
      %add3A_306 = arith.addi %squeeze3A_293, %squeeze3A_295 : i32
      %add3A_307 = arith.addi %squeeze3A_297, %squeeze3A_299 : i32
      %add3A_308 = arith.addi %add3A_300, %add3A_301 : i32
      %add3A_309 = arith.addi %add3A_302, %add3A_303 : i32
      %add3A_310 = arith.addi %add3A_304, %add3A_305 : i32
      %add3A_311 = arith.addi %add3A_306, %add3A_307 : i32
      %add3A_312 = arith.addi %add3A_308, %add3A_309 : i32
      %add3A_313 = arith.addi %add3A_310, %add3A_311 : i32
      %add3A_314 = arith.addi %add3A_312, %add3A_313 : i32
      %add3A_315 = arith.addi %add3A_262, %add3A_314 : i32
      %sub3A_316 = arith.constant 1 : i32
      %sub3A_317 = arith.subi %add3A_315, %sub3A_316 : i32
      %max3A_318 = arith.constant 0 : i32
      %max3A_319 = arith.maxsi %sub3A_317, %max3A_318 : i32
      %mul3A_320 = arith.constant 1024 : i32
      %mul3A_321 = arith.muli %max3A_319, %mul3A_320 : i32
      %add3A_322 = arith.addi %mul3A_179, %mul3A_321 : i32
      %dma_start3A_323 = tpu.memref_slice %arg3[%add3A_322] : memref<8388608xf32, #tpu.memory_space<hbm>> -> memref<1024xf32, #tpu.memory_space<hbm>>
      %dma_start3A_324 = tpu.memref_slice %arg3[%add3A_322] : memref<8388608xf32, #tpu.memory_space<hbm>> -> memref<1024xf32, #tpu.memory_space<hbm>>
      tpu.enqueue_dma source(%dma_start3A_324 : memref<1024xf32, #tpu.memory_space<hbm>>) target(%arg7 : memref<1024xf32, #tpu.memory_space<vmem>>) target_semaphore(%arg10 : memref<!tpu.dma_semaphore, #tpu.memory_space<semaphore_mem>>)
      %dma_wait3A_325 = tpu.memref_slice %arg3[%add3A_322] : memref<8388608xf32, #tpu.memory_space<hbm>> -> memref<1024xf32, #tpu.memory_space<hbm>>
      %dma_wait3A_326 = tpu.memref_slice %arg3[%add3A_322] : memref<8388608xf32, #tpu.memory_space<hbm>> -> memref<1024xf32, #tpu.memory_space<hbm>>
      tpu.wait_dma2 semaphore(%arg10 : memref<!tpu.dma_semaphore, #tpu.memory_space<semaphore_mem>>) src(%dma_wait3A_326 : memref<1024xf32, #tpu.memory_space<hbm>>) dst(%arg7 : memref<1024xf32, #tpu.memory_space<vmem>>)
      %add3A_327 = arith.constant 0 : i32
      %add3A_328 = arith.constant 496 : i32
      %add3A_329 = arith.addi %add3A_327, %add3A_328 : i32
      %get3A_330 = arith.index_cast %add3A_329 : i32 to index
      %get3A_331 = tpu.vector_load %arg7[%get3A_330] {strides = array<i32>} : memref<1024xf32, #tpu.memory_space<vmem>>, vector<16xf32>,
      %get3A_332 = vector.shape_cast %get3A_331 : vector<16xf32> to vector<16xf32>
      %slice3A_333 = vector.extract_strided_slice %get3A_332 {offsets = [15], sizes = [1], strides = [1]} : vector<16xf32> to vector<1xf32>
      %squeeze3A_334 = vector.extract %slice3A_333[0] : f32 from vector<1xf32>
      %lt3A_335 = arith.cmpf olt, %squeeze3A_334, %squeeze3A : f32
      %jit3A_336 = arith.constant 512 : i32
      %jit3A_337 = arith.constant 0 : i32
      %select_n3A_338 = arith.select %lt3A_335, %jit3A_336, %jit3A_337 : i32
      %add3A_339 = arith.constant 0 : i32
      %add3A_340 = arith.addi %add3A_339, %select_n3A_338 : i32
      %add3A_341 = arith.constant 240 : i32
      %add3A_342 = arith.addi %add3A_340, %add3A_341 : i32
      %get3A_343 = arith.index_cast %add3A_342 : i32 to index
      %get3A_344 = tpu.vector_load %arg7[%get3A_343] {strides = array<i32>} : memref<1024xf32, #tpu.memory_space<vmem>>, vector<16xf32>,
      %get3A_345 = vector.shape_cast %get3A_344 : vector<16xf32> to vector<16xf32>
      %slice3A_346 = vector.extract_strided_slice %get3A_345 {offsets = [15], sizes = [1], strides = [1]} : vector<16xf32> to vector<1xf32>
      %squeeze3A_347 = vector.extract %slice3A_346[0] : f32 from vector<1xf32>
      %lt3A_348 = arith.cmpf olt, %squeeze3A_347, %squeeze3A : f32
      %jit3A_349 = arith.constant 256 : i32
      %jit3A_350 = arith.constant 0 : i32
      %select_n3A_351 = arith.select %lt3A_348, %jit3A_349, %jit3A_350 : i32
      %add3A_352 = arith.addi %add3A_340, %select_n3A_351 : i32
      %add3A_353 = arith.constant 112 : i32
      %add3A_354 = arith.addi %add3A_352, %add3A_353 : i32
      %get3A_355 = arith.index_cast %add3A_354 : i32 to index
      %get3A_356 = tpu.vector_load %arg7[%get3A_355] {strides = array<i32>} : memref<1024xf32, #tpu.memory_space<vmem>>, vector<16xf32>,
      %get3A_357 = vector.shape_cast %get3A_356 : vector<16xf32> to vector<16xf32>
      %slice3A_358 = vector.extract_strided_slice %get3A_357 {offsets = [15], sizes = [1], strides = [1]} : vector<16xf32> to vector<1xf32>
      %squeeze3A_359 = vector.extract %slice3A_358[0] : f32 from vector<1xf32>
      %lt3A_360 = arith.cmpf olt, %squeeze3A_359, %squeeze3A : f32
      %jit3A_361 = arith.constant 128 : i32
      %jit3A_362 = arith.constant 0 : i32
      %select_n3A_363 = arith.select %lt3A_360, %jit3A_361, %jit3A_362 : i32
      %add3A_364 = arith.addi %add3A_352, %select_n3A_363 : i32
      %add3A_365 = arith.constant 48 : i32
      %add3A_366 = arith.addi %add3A_364, %add3A_365 : i32
      %get3A_367 = arith.index_cast %add3A_366 : i32 to index
      %get3A_368 = tpu.vector_load %arg7[%get3A_367] {strides = array<i32>} : memref<1024xf32, #tpu.memory_space<vmem>>, vector<16xf32>,
      %get3A_369 = vector.shape_cast %get3A_368 : vector<16xf32> to vector<16xf32>
      %slice3A_370 = vector.extract_strided_slice %get3A_369 {offsets = [15], sizes = [1], strides = [1]} : vector<16xf32> to vector<1xf32>
      %squeeze3A_371 = vector.extract %slice3A_370[0] : f32 from vector<1xf32>
      %lt3A_372 = arith.cmpf olt, %squeeze3A_371, %squeeze3A : f32
      %jit3A_373 = arith.constant 64 : i32
      %jit3A_374 = arith.constant 0 : i32
      %select_n3A_375 = arith.select %lt3A_372, %jit3A_373, %jit3A_374 : i32
      %add3A_376 = arith.addi %add3A_364, %select_n3A_375 : i32
      %add3A_377 = arith.constant 16 : i32
      %add3A_378 = arith.addi %add3A_376, %add3A_377 : i32
      %get3A_379 = arith.index_cast %add3A_378 : i32 to index
      %get3A_380 = tpu.vector_load %arg7[%get3A_379] {strides = array<i32>} : memref<1024xf32, #tpu.memory_space<vmem>>, vector<16xf32>,
      %get3A_381 = vector.shape_cast %get3A_380 : vector<16xf32> to vector<16xf32>
      %slice3A_382 = vector.extract_strided_slice %get3A_381 {offsets = [15], sizes = [1], strides = [1]} : vector<16xf32> to vector<1xf32>
      %squeeze3A_383 = vector.extract %slice3A_382[0] : f32 from vector<1xf32>
      %lt3A_384 = arith.cmpf olt, %squeeze3A_383, %squeeze3A : f32
      %jit3A_385 = arith.constant 32 : i32
      %jit3A_386 = arith.constant 0 : i32
      %select_n3A_387 = arith.select %lt3A_384, %jit3A_385, %jit3A_386 : i32
      %add3A_388 = arith.addi %add3A_376, %select_n3A_387 : i32
      %add3A_389 = arith.constant 0 : i32
      %add3A_390 = arith.addi %add3A_388, %add3A_389 : i32
      %get3A_391 = arith.index_cast %add3A_390 : i32 to index
      %get3A_392 = tpu.vector_load %arg7[%get3A_391] {strides = array<i32>} : memref<1024xf32, #tpu.memory_space<vmem>>, vector<16xf32>,
      %get3A_393 = vector.shape_cast %get3A_392 : vector<16xf32> to vector<16xf32>
      %slice3A_394 = vector.extract_strided_slice %get3A_393 {offsets = [15], sizes = [1], strides = [1]} : vector<16xf32> to vector<1xf32>
      %squeeze3A_395 = vector.extract %slice3A_394[0] : f32 from vector<1xf32>
      %lt3A_396 = arith.cmpf olt, %squeeze3A_395, %squeeze3A : f32
      %jit3A_397 = arith.constant 16 : i32
      %jit3A_398 = arith.constant 0 : i32
      %select_n3A_399 = arith.select %lt3A_396, %jit3A_397, %jit3A_398 : i32
      %add3A_400 = arith.addi %add3A_388, %select_n3A_399 : i32
      %get3A_401 = arith.index_cast %add3A_400 : i32 to index
      %get3A_402 = tpu.vector_load %arg7[%get3A_401] {strides = array<i32>} : memref<1024xf32, #tpu.memory_space<vmem>>, vector<16xf32>,
      %get3A_403 = vector.shape_cast %get3A_402 : vector<16xf32> to vector<16xf32>
      %lt3A_404 = arith.cmpf olt, %get3A_403, %get3A_86 : vector<16xf32>
      %select_n3A_405 = arith.select %lt3A_404, %broadcast_in_dim3A_4, %broadcast_in_dim3A_6 : vector<16xi1>, vector<16xi32>
      %slice3A_406 = vector.extract_strided_slice %select_n3A_405 {offsets = [0], sizes = [1], strides = [1]} : vector<16xi32> to vector<1xi32>
      %squeeze3A_407 = vector.extract %slice3A_406[0] : i32 from vector<1xi32>
      %slice3A_408 = vector.extract_strided_slice %select_n3A_405 {offsets = [1], sizes = [1], strides = [1]} : vector<16xi32> to vector<1xi32>
      %squeeze3A_409 = vector.extract %slice3A_408[0] : i32 from vector<1xi32>
      %slice3A_410 = vector.extract_strided_slice %select_n3A_405 {offsets = [2], sizes = [1], strides = [1]} : vector<16xi32> to vector<1xi32>
      %squeeze3A_411 = vector.extract %slice3A_410[0] : i32 from vector<1xi32>
      %slice3A_412 = vector.extract_strided_slice %select_n3A_405 {offsets = [3], sizes = [1], strides = [1]} : vector<16xi32> to vector<1xi32>
      %squeeze3A_413 = vector.extract %slice3A_412[0] : i32 from vector<1xi32>
      %slice3A_414 = vector.extract_strided_slice %select_n3A_405 {offsets = [4], sizes = [1], strides = [1]} : vector<16xi32> to vector<1xi32>
      %squeeze3A_415 = vector.extract %slice3A_414[0] : i32 from vector<1xi32>
      %slice3A_416 = vector.extract_strided_slice %select_n3A_405 {offsets = [5], sizes = [1], strides = [1]} : vector<16xi32> to vector<1xi32>
      %squeeze3A_417 = vector.extract %slice3A_416[0] : i32 from vector<1xi32>
      %slice3A_418 = vector.extract_strided_slice %select_n3A_405 {offsets = [6], sizes = [1], strides = [1]} : vector<16xi32> to vector<1xi32>
      %squeeze3A_419 = vector.extract %slice3A_418[0] : i32 from vector<1xi32>
      %slice3A_420 = vector.extract_strided_slice %select_n3A_405 {offsets = [7], sizes = [1], strides = [1]} : vector<16xi32> to vector<1xi32>
      %squeeze3A_421 = vector.extract %slice3A_420[0] : i32 from vector<1xi32>
      %slice3A_422 = vector.extract_strided_slice %select_n3A_405 {offsets = [8], sizes = [1], strides = [1]} : vector<16xi32> to vector<1xi32>
      %squeeze3A_423 = vector.extract %slice3A_422[0] : i32 from vector<1xi32>
      %slice3A_424 = vector.extract_strided_slice %select_n3A_405 {offsets = [9], sizes = [1], strides = [1]} : vector<16xi32> to vector<1xi32>
      %squeeze3A_425 = vector.extract %slice3A_424[0] : i32 from vector<1xi32>
      %slice3A_426 = vector.extract_strided_slice %select_n3A_405 {offsets = [10], sizes = [1], strides = [1]} : vector<16xi32> to vector<1xi32>
      %squeeze3A_427 = vector.extract %slice3A_426[0] : i32 from vector<1xi32>
      %slice3A_428 = vector.extract_strided_slice %select_n3A_405 {offsets = [11], sizes = [1], strides = [1]} : vector<16xi32> to vector<1xi32>
      %squeeze3A_429 = vector.extract %slice3A_428[0] : i32 from vector<1xi32>
      %slice3A_430 = vector.extract_strided_slice %select_n3A_405 {offsets = [12], sizes = [1], strides = [1]} : vector<16xi32> to vector<1xi32>
      %squeeze3A_431 = vector.extract %slice3A_430[0] : i32 from vector<1xi32>
      %slice3A_432 = vector.extract_strided_slice %select_n3A_405 {offsets = [13], sizes = [1], strides = [1]} : vector<16xi32> to vector<1xi32>
      %squeeze3A_433 = vector.extract %slice3A_432[0] : i32 from vector<1xi32>
      %slice3A_434 = vector.extract_strided_slice %select_n3A_405 {offsets = [14], sizes = [1], strides = [1]} : vector<16xi32> to vector<1xi32>
      %squeeze3A_435 = vector.extract %slice3A_434[0] : i32 from vector<1xi32>
      %slice3A_436 = vector.extract_strided_slice %select_n3A_405 {offsets = [15], sizes = [1], strides = [1]} : vector<16xi32> to vector<1xi32>
      %squeeze3A_437 = vector.extract %slice3A_436[0] : i32 from vector<1xi32>
      %add3A_438 = arith.addi %squeeze3A_407, %squeeze3A_409 : i32
      %add3A_439 = arith.addi %squeeze3A_411, %squeeze3A_413 : i32
      %add3A_440 = arith.addi %squeeze3A_415, %squeeze3A_417 : i32
      %add3A_441 = arith.addi %squeeze3A_419, %squeeze3A_421 : i32
      %add3A_442 = arith.addi %squeeze3A_423, %squeeze3A_425 : i32
      %add3A_443 = arith.addi %squeeze3A_427, %squeeze3A_429 : i32
      %add3A_444 = arith.addi %squeeze3A_431, %squeeze3A_433 : i32
      %add3A_445 = arith.addi %squeeze3A_435, %squeeze3A_437 : i32
      %add3A_446 = arith.addi %add3A_438, %add3A_439 : i32
      %add3A_447 = arith.addi %add3A_440, %add3A_441 : i32
      %add3A_448 = arith.addi %add3A_442, %add3A_443 : i32
      %add3A_449 = arith.addi %add3A_444, %add3A_445 : i32
      %add3A_450 = arith.addi %add3A_446, %add3A_447 : i32
      %add3A_451 = arith.addi %add3A_448, %add3A_449 : i32
      %add3A_452 = arith.addi %add3A_450, %add3A_451 : i32
      %add3A_453 = arith.addi %add3A_400, %add3A_452 : i32
      %add3A_454 = arith.addi %add3A_322, %add3A_453 : i32
      %broadcast_in_dim3A_455 = vector.broadcast %add3A_454 : i32 to vector<16xi32>
      %swap3A_456 = arith.constant 0 : index
      %swap3A_457 = tpu.vector_load %arg9[%swap3A_456] {strides = array<i32>} : memref<16xi32, #tpu.memory_space<vmem>>, vector<16xi32>,
      %swap3A_458 = vector.shape_cast %swap3A_457 : vector<16xi32> to vector<16xi32>
      %swap3A_459 = vector.shape_cast %broadcast_in_dim3A_455 : vector<16xi32> to vector<16xi32>
      tpu.vector_store %arg9[%swap3A_456], %swap3A_459 {strides = array<i32>} : memref<16xi32, #tpu.memory_space<vmem>>, vector<16xi32>,
      "tpu.region"() ({
        %run_scoped3A = tpu.sem_alloc : memref<!tpu.dma_semaphore, #tpu.memory_space<semaphore_mem>>
        tpu.enqueue_dma source(%arg9 : memref<16xi32, #tpu.memory_space<vmem>>) target(%arg4 : memref<16xi32, #tpu.memory_space<hbm>>) target_semaphore(%run_scoped3A : memref<!tpu.dma_semaphore, #tpu.memory_space<semaphore_mem>>)
        tpu.wait_dma2 semaphore(%run_scoped3A : memref<!tpu.dma_semaphore, #tpu.memory_space<semaphore_mem>>) src(%arg9 : memref<16xi32, #tpu.memory_space<vmem>>) dst(%arg4 : memref<16xi32, #tpu.memory_space<hbm>>)
        tpu.yield
      }) : () -> ()
    } else {
    }
    return
  }
}

</mosaic_0001>

<sc_bundles>
// kernel: kernel.3.cloned.1.call-start
scs
__scs_entry_jumppad:
0x0: {  	(pc) =	sbr.rel $0x88, $3  }
0x1: {  	(tag) =	ssettag $0x0;
	lr =	simm.s32 $0x1  }
0x2: {  	[smem:$0x3F9E] =	sst lr;
	_ =	strace $0xD0000000  }
0x3: {  	_ = 	snop  }
0x4: {  	_ = 	snop  }
0x5: {  	_ = 	snop  }
0x6: {  	_ = 	snop  }
0x7: {  	_ = 	snop  }
__scs_overlays_trampoline_lowered:
0x8: {  	[smem:$0x3FAD] =	sst s0  }
0x9: {  	[smem:$0x3FAE] =	sst s1  }
0xa: {  	[smem:$0x3FAF] =	sst s2  }
0xb: {  	[smem:$0x3FB0] =	sst s3  }
0xc: {  	[smem:$0x3FB1] =	sst s4  }
0xd: {  	[smem:$0x3FB2] =	sst s5  }
0xe: {  	[smem:$0x3FB3] =	sst s6  }
0xf: {  	[smem:$0x3FB4] =	sst s7  }
0x10: {  	[smem:$0x3FB5] =	sst s8  }
0x11: {  	[smem:$0x3FB6] =	sst s9;
	s0 =	simm.s32 @!p0 $0x0  }
0x12: {  	s1 =	sld [smem:$0x3F9C];
	s0 =	simm.s32 @p0 $0x1  }
0x13: {  	[smem:$0x3FB7] =	sst s0;
	s0 =	simm.s32 @!p1 $0x0  }
0x14: {  	s2 =	sld [smem:$0x3F9B];
	s0 =	simm.s32 @p1 $0x1  }
0x15: {  	[smem:$0x3FB8] =	sst s0;
	s0 =	simm.s32 @!p2 $0x0  }
0x16: {  	s3 =	sld [smem:$0x3FDB];
	s0 =	simm.s32 @p2 $0x1  }
0x17: {  	s4 =	simm.s32 $0x1BF5;
	[smem:$0x3FBA] =	sst s0  }
0x18: {  	s0 =	sld [smem:$0x3F9D];
	_ =	swait.ge [sflag:s4], $0x0  }
0x19: {  	s7 =	sld [smem:$0x3F9E]  }
0x1a: {  	s8 =	sadd.s32 $0xFFFFE003, lr  }
0x1b: {  	s9 =	sadd.s32 $0xFFFFFEF7, lr;
	s5 =	simm.s32 $0xFFFFFFFF;
	p2 =	slt.u32 s8, $0xFFFFF086  }
0x1c: {  	p1 =	slt.u32 s9, $0xF7A;
	s5 =	simm.s32 @!p2 $0x0  }
0x1d: {  	s5 =	simm.s32 @p1 $0x1;
	p0 =	seq.s32 s7, s2  }
0x1e: {  	s7 =	smul.u32 @!p0 $0xF7A, s2;
	p2 =	seq.s32 @!p0 s5, $0x0  }
0x1f: {  	s9 =	smul.u32 $0xF7A, s1;
	s8 =	simm.s32 @!p0 $0x1BF5;
	p2 =	por !p2, p0  }
0x20: {  	[sflag:s8] =	ssyncset.s32 @!p0 $0xFFFFF086;
	s6 =	sadd.s32 @!p0 s3, s7;
	s7 =	simm.s32 @!p0 $0x108  }
0x21: {  	s3 =	sadd.s32 s3, s9;
	s6 =	sadd.s32 @!p0 $0x88, s6;
	s7 =	simm.s32 @p2 $0x1082  }
0x22: {  	[simem:s7], [sflag:s8] =	dma.local @!p0 [hbm:s6], $0xF7A  }
0x23: {  	s9 =	sor.u32 $0xD0000000, s2;
	s6 =	simm.s32 $0x108;
	_ =	swait.ge @!p0 [sflag:s8], $0x0  }
0x24: {  	s3 =	sadd.s32 $0x88, s3;
	s6 =	simm.s32 @!p1 $0x1082;
	[sflag:s4] =	ssyncset.s32 $0xFFFFF086  }
0x25: {  	[simem:s6], [sflag:s4] =	dma.local [hbm:s3], $0xF7A  }
0x26: {  	[smem:$0x3F9E] =	sst s1;
	(tag) =	ssettag s2;
	_ =	strace s9  }
0x27: {  	s1 =	sld [smem:$0x3FAE]  }
0x28: {  	s2 =	sld [smem:$0x3FAF]  }
0x29: {  	s4 =	sld [smem:$0x3FB1]  }
0x2a: {  	p0 =	seq.s32 s5, $0x0;
	s5 =	sld [smem:$0x3FB2]  }
0x2b: {  	s6 =	sld [smem:$0x3FB3]  }
0x2c: {  	s7 =	sld [smem:$0x3FB4]  }
0x2d: {  	s3 =	simm.s32 $0x108;
	s8 =	sld [smem:$0x3FB5]  }
0x2e: {  	s3 =	simm.s32 @!p0 $0x1082;
	s9 =	sld [smem:$0x3FB6]  }
0x2f: {  	lr =	sadd.s32 s0, s3;
	s0 =	sld [smem:$0x3FAD]  }
0x30: {  	s3 =	sld [smem:$0x3FB0]  }
0x31: {  	[smem:$0x3FB9] =	sst s10  }
0x32: {  	s10 =	sld [smem:$0x3FB7];
	_ =	sdelay $0x3  }
0x33: {  	p0 =	seq.s32 s10, $0x1;
	s10 =	sld [smem:$0x3FB9];
	_ =	sdelay $0x3  }
0x34: {  	[smem:$0x3FB9] =	sst s10  }
0x35: {  	s10 =	sld [smem:$0x3FB8];
	_ =	sdelay $0x3  }
0x36: {  	p1 =	seq.s32 s10, $0x1;
	s10 =	sld [smem:$0x3FB9];
	_ =	sdelay $0x3  }
0x37: {  	[smem:$0x3FB9] =	sst s10  }
0x38: {  	s10 =	sld [smem:$0x3FBA]  }
0x39: {  	_ = 	snop;
	(pc) =	sbr.ind lr, $3  }
0x3a: {  	_ = 	snop  }
0x3b: {  	_ = 	snop  }
0x3c: {  	p2 =	seq.s32 s10, $0x1;
	s10 =	sld [smem:$0x3FB9]  }
0x3d: {  	_ =	shalt  }
0x3e: {  	_ =	shalt  }
0x3f: {  	_ =	shalt  }
0x40: {  	_ =	shalt  }
0x41: {  	_ =	shalt  }
0x42: {  	_ =	shalt  }
0x43: {  	_ =	shalt  }
0x44: {  	_ =	shalt  }
0x45: {  	_ =	shalt  }
0x46: {  	_ =	shalt  }
0x47: {  	_ =	shalt  }
0x48: {  	_ =	shalt  }
0x49: {  	_ =	shalt  }
0x4a: {  	_ =	shalt  }
0x4b: {  	_ =	shalt  }
0x4c: {  	_ =	shalt  }
0x4d: {  	_ =	shalt  }
0x4e: {  	_ =	shalt  }
0x4f: {  	_ =	shalt  }
0x50: {  	_ =	shalt  }
0x51: {  	_ =	shalt  }
0x52: {  	_ =	shalt  }
0x53: {  	_ =	shalt  }
0x54: {  	_ =	shalt  }
0x55: {  	_ =	shalt  }
0x56: {  	_ =	shalt  }
0x57: {  	_ =	shalt  }
0x58: {  	_ =	shalt  }
0x59: {  	_ =	shalt  }
0x5a: {  	_ =	shalt  }
0x5b: {  	_ =	shalt  }
0x5c: {  	_ =	shalt  }
0x5d: {  	_ =	shalt  }
0x5e: {  	_ =	shalt  }
0x5f: {  	_ =	shalt  }
0x60: {  	_ =	shalt  }
0x61: {  	_ =	shalt  }
0x62: {  	_ =	shalt  }
0x63: {  	_ =	shalt  }
0x64: {  	_ =	shalt  }
0x65: {  	_ =	shalt  }
0x66: {  	_ =	shalt  }
0x67: {  	_ =	shalt  }
0x68: {  	_ =	shalt  }
0x69: {  	_ =	shalt  }
0x6a: {  	_ =	shalt  }
0x6b: {  	_ =	shalt  }
0x6c: {  	_ =	shalt  }
0x6d: {  	_ =	shalt  }
0x6e: {  	_ =	shalt  }
0x6f: {  	_ =	shalt  }
0x70: {  	_ =	shalt  }
0x71: {  	_ =	shalt  }
0x72: {  	_ =	shalt  }
0x73: {  	_ =	shalt  }
0x74: {  	_ =	shalt  }
0x75: {  	_ =	shalt  }
0x76: {  	_ =	shalt  }
0x77: {  	_ =	shalt  }
0x78: {  	_ =	shalt  }
0x79: {  	_ =	shalt  }
0x7a: {  	_ =	shalt  }
0x7b: {  	_ =	shalt  }
0x7c: {  	_ =	shalt  }
0x7d: {  	_ =	shalt  }
0x7e: {  	_ =	shalt  }
0x7f: {  	_ =	shalt  }
0x80: {  	_ =	shalt  }
0x81: {  	_ =	shalt  }
0x82: {  	_ =	shalt  }
0x83: {  	_ =	shalt  }
0x84: {  	_ =	shalt  }
0x85: {  	_ =	shalt  }
0x86: {  	_ =	shalt  }
0x87: {  	_ =	shalt  }
.Lfunc_end0:
.L_simem_size_0:
called_computation_lowered:
.L_overlay_start_0:
0x88: {  	s0 =	sld [smem:$0x3FD9]  }
0x89: {  	s1 =	sld [smem:$0x3FFE];
	_ =	sdelay $0x3  }
0x8a: {  	s0 =	sadd.s32 s1, s0  }
0x8b: {  	[smem:$0x3FC5] =	sst s0  }
0x8c: {  	_ = 	snop  }
0x8d: {  	s0 =	sld [smem:$0x3FC8]  }
0x8e: {  	s16 =	sld [smem:$0x3FD0];
	(tm) =	ssettm $0x1  }
0x8f: {  	s2 =	sld [smem:$0x3FFB];
	_ =	sdelay $0x3  }
0x90: {  	_ =	strace s2  }
0x91: {  	s2 =	sld [smem:$0x3FFC];
	_ =	sdelay $0x3  }
0x92: {  	_ =	strace s2  }
0x93: {  	s2 =	sld [smem:$0x3FFD];
	_ =	sdelay $0x3  }
0x94: {  	_ =	strace s2  }
0x95: {  	_ =	strace $0x8FFFFFFF  }
0x96: {  	s17 =	sld [smem:$0x3FDB];
	_ =	sdelay $0x1  }
0x97: {  	s3 =	simm.s32 $_scs_section_size  }
0x98: {  	s4 =	simm.s32 $_size__tile_overlayer_lowered;
	s5 =	simm.s32 $_tile_overlayer_lowered  }
0x99: {  	s20 =	simm.s32 $0x1BFF;
	s19 =	sshll.u32 s5, $0x1;
	s2 =	sadd.s32 s3, s17  }
0x9a: {  	s6 =	simm.s32 $0x0;
	s18 =	sshll.u32 s4, $0x1;
	s4 =	sadd.s32 s19, s2  }
0x9b: {  	[timem:s6], [sflag:s20] =	dma.local [hbm:s4], s18  }
0x9c: {  	_ =	swait.ge [sflag:s20], s18  }
0x9d: {  	s3 =	ssub.s32 $0x0, s18;
	[sflag:s20] =	ssyncset.done $0x0  }
0x9e: {  	[sflag:s20] =	ssyncadd.s32 s3;
	_ =	sdelay $0x1  }
0x9f: {  	s21 =	simm.s32 $0x1B8B  }
0xa0: {  	_ =	swait.ge [sflag:s21], $0x1  }
0xa1: {  	[sflag:s21] =	ssyncset.done $0x0  }
0xa2: {  	s23 =	simm.s32 $0x1B8E;
	s22 =	sld [smem:$0x3FFE];
	[sflag:s21] =	ssyncadd.s32 $0xFFFFFFFF  }
0xa3: {  	s24 =	simm.s32 $execute0_lowered;
	[smem:$0x3FD2] =	sst s23  }
0xa4: {  	s4 =	sshll.u32 s24, $0x1;
	_ =	strace $0x80000046;
	[dreg:$0x1] =	wrdreg $0xFFFFFFFF  }
0xa5: {  	s25 =	simm.s32 $_size_execute0_lowered;
	s2 =	sadd.s32 s2, s4;
	[dreg:$0x0] =	wrdreg $0x0  }
0xa6: {  	s4 =	sshll.u32 s25, $0x1;
	[dreg:$0x2] =	wrdreg s2  }
0xa7: {  	[dreg:$0x3] =	wrdreg s4  }
0xa8: {  	[dreg:$0x4] =	wrdreg $0xC0  }
0xa9: {  	_ =	task [dreg:s6], $0x5FFFF  }
0xaa: {  	[dreg:$0x1] =	wrdreg $0xFFFFFFFF  }
0xab: {  	[dreg:$0x0] =	wrdreg $0x60  }
0xac: {  	[dreg:$0x2] =	wrdreg s22  }
0xad: {  	[dreg:$0x3] =	wrdreg s0  }
0xae: {  	[dreg:$0x4] =	wrdreg s16  }
0xaf: {  	[dreg:$0x5] =	wrdreg $0x9  }
0xb0: {  	_ =	task.clear_ibuf [dreg:s6], $0x6FFFF;
	_ =	strace $0x90000046  }
0xb1: {  	s26 =	simm.s32 $0x9;
	_ =	strace $0x80000048  }
0xb2: {  	_ =	swait.ge [sflag:s26], $0x1  }
0xb3: {  	[sflag:s26] =	ssyncadd.s32 $0xFFFFFFFF  }
0xb4: {  	_ =	strace $0x90000048  }
0xb5: {  	_ =	sfence  }
0xb6: {  	s28 =	sld [smem:$0x0];
	_ =	sdelay $0x1  }
0xb7: {  	s29 =	srdreg.scid  }
0xb8: {  	s30 =	sshll.u32 s29, $0xD;
	s31 =	sshrl.u32 s29, $0x2  }
0xb9: {  	s1 =	sand.u32 $0x1, s29;
	s2 =	sand.u32 $0x4000, s30;
	s0 =	sadd.s32 s31, s28  }
0xba: {  	s1 =	sor.u32 s2, s1;
	s0 =	sshll.u32 s0, $0x11  }
0xbb: {  	s0 =	sor.u32 s0, s1  }
0xbc: {  	s0 =	sadd.s32 $0x8F2B, s0  }
0xbd: {  	[sflag:s0] =	ssyncadd.remote.s32 $0x1  }
0xbe: {  	_ =	sfence.sel $0xFFFF  }
0xbf: {  	[dreg:$0x0] =	wrdreg $0xFFFFFFFF;
	(pc) =	sbr.abs _section_cstart, $3  }
0xc0: {  	[dreg:$0x1] =	wrdreg $0xFFFFFFFF  }
0xc1: {  	_ =	task.clear_ibuf [dreg:s6], $0x2FFFF;
	_ =	strace $0x9FFFFFFF  }
0xc2: {  	(tm) =	ssettm $0x7FFFFFFF  }
0xc3: {  	_ =	shalt  }
tec
execute0_lowered:
.L_overlay_start_1:
0x0: {  	(tag) =	ssettag $0x1  }
0x1: {  	s5 =	stileid.u32  }
0x2: {  	p0 =	sne.s32 s5, $0x0  }
.Ltmp0:
0x3: {  	s3 =	rddreg [dreg:$0x0];
	(pc) =	sbr.rel @p0 .LBB2_2-.Ltmp0, $4  }
0x4: {  	s4 =	rddreg [dreg:$0x1]  }
0x5: {  	s1 =	rddreg [dreg:$0x2];
	s2 =	simm.s32 $0x0  }
0x6: {  	[smem:$0x7FF] =	sst s2  }
0x7: {  	s0 =	rddreg [dreg:$0x3];
	_ =	strace $0x80000047  }
0x8: {  	v2 =	vlaneseq.u32  }
0x9: {  	v0 =	vmul.u32 $0x10000, v2;
	_ =	sdelay $0x1  }
0xa: {  	[tilespmem:$0x0] =	vst v0;
	v1 =	vor.u32 $0x100000, v0  }
0xb: {  	v38 =	vor.u32 $0x200000, v0;
	[tilespmem:$0x10] =	vst v1  }
0xc: {  	v39 =	vor.u32 $0x300000, v0;
	[tilespmem:$0x20] =	vst v38  }
0xd: {  	v40 =	vor.u32 $0x400000, v0;
	[tilespmem:$0x30] =	vst v39  }
0xe: {  	v41 =	vor.u32 $0x500000, v0;
	[tilespmem:$0x40] =	vst v40  }
0xf: {  	v42 =	vor.u32 $0x600000, v0;
	[tilespmem:$0x50] =	vst v41  }
0x10: {  	v0 =	vor.u32 $0x700000, v0;
	[tilespmem:$0x60] =	vst v42  }
0x11: {  	s5 =	simm.s32 $0x80;
	[tilespmem:$0x70] =	vst v0  }
0x12: {  	[tilespmem:s5], [sflag:$0x1] =	stream.indirect.gather [hbm4b:s4+s5], $0x1, s2, s5, $0xb8;
	[tilespmem:$0x600] =	vst v63  }
0x13: {  	s3 =	sadd.s32 $0x400, s3;
	s6 =	simm.s32 $0x500;
	s10 =	simm.s32 $0x2  }
0x14: {  	[tilespmem:s6], [sflag:$0x2] =	stream.linear.gather [hbm4b:s3+s2], $0x80, $0x38;
	[tilespmem:$0x600] =	vst v63  }
0x15: {  	_ =	swait.ge [sflag:s10], $0x80  }
0x16: {  	[sflag:s10] =	ssyncset.done $0x0  }
0x17: {  	[sflag:s10] =	ssyncadd.s32 $0xFFFFFF80  }
0x18: {  	v43 =	vld [tilespmem:$0x500];
	_ =	sdelay $0x4  }
0x19: {  	(v2sf) =	vpush v43, $0x0;
	_ =	sdelay $0xe  }
0x1a: {  	s6 =	simm.s32 $0x1;
	s3 =	spop (v2sf)  }
0x1b: {  	_ =	swait.ge [sflag:s6], $0x80  }
0x1c: {  	[sflag:s6] =	ssyncset.done $0x0  }
0x1d: {  	[sflag:s6] =	ssyncadd.s32 $0xFFFFFF80  }
0x1e: {  	v44 =	vld [tilespmem:$0xB0];
	_ =	sdelay $0x4  }
0x1f: {  	(v2sf) =	vpush v44, $0xF;
	_ =	sdelay $0xe  }
0x20: {  	s7 =	spop (v2sf)  }
0x21: {  	p1 =	slt.f32 s7, s3  }
0x22: {  	s7 =	simm.s32 $0x40  }
0x23: {  	s7 =	simm.s32 @!p1 $0x0  }
0x24: {  	v45 =	vld [tilespmem:s7+$0x90];
	_ =	sdelay $0x4  }
0x25: {  	(v2sf) =	vpush v45, $0xF;
	_ =	sdelay $0xe  }
0x26: {  	s8 =	spop (v2sf)  }
0x27: {  	p1 =	slt.f32 s8, s3  }
0x28: {  	s8 =	simm.s32 $0x20  }
0x29: {  	s8 =	simm.s32 @!p1 $0x0  }
0x2a: {  	s7 =	sor.u32 s7, s8  }
0x2b: {  	v46 =	vld [tilespmem:s7+$0x80];
	_ =	sdelay $0x4  }
0x2c: {  	(v2sf) =	vpush v46, $0xF;
	_ =	sdelay $0xe  }
0x2d: {  	s11 =	spop (v2sf)  }
0x2e: {  	p1 =	slt.f32 s11, s3  }
0x2f: {  	s8 =	simm.s32 $0x10  }
0x30: {  	s8 =	simm.s32 @!p1 $0x0  }
0x31: {  	s7 =	sor.u32 s8, s7  }
0x32: {  	v47 =	vld [tilespmem:s7+$0x80];
	_ =	sdelay $0x4  }
0x33: {  	v48 =	vimm.s32 $0x0;
	vm0 =	vlt.f32 v47, v43  }
0x34: {  	v3 =	vsel vm0, $0x1, v48  }
0x35: {  	(v2sf) =	vpush v3, $0x0  }
0x36: {  	(v2sf) =	vpush v3, $0x1  }
0x37: {  	(v2sf) =	vpush v3, $0x2  }
0x38: {  	(v2sf) =	vpush v3, $0x3  }
0x39: {  	(v2sf) =	vpush v3, $0x4  }
0x3a: {  	(v2sf) =	vpush v3, $0x5  }
0x3b: {  	(v2sf) =	vpush v3, $0x6  }
0x3c: {  	(v2sf) =	vpush v3, $0x7  }
0x3d: {  	(v2sf) =	vpush v3, $0x8  }
0x3e: {  	(v2sf) =	vpush v3, $0x9  }
0x3f: {  	(v2sf) =	vpush v3, $0xA  }
0x40: {  	(v2sf) =	vpush v3, $0xB  }
0x41: {  	(v2sf) =	vpush v3, $0xC  }
0x42: {  	(v2sf) =	vpush v3, $0xD  }
0x43: {  	(v2sf) =	vpush v3, $0xE  }
0x44: {  	s12 =	spop (v2sf);
	(v2sf) =	vpush v3, $0xF  }
0x45: {  	s9 =	spop (v2sf)  }
0x46: {  	s10 =	spop (v2sf)  }
0x47: {  	s8 =	sadd.s32 s12, s9;
	s11 =	spop (v2sf)  }
0x48: {  	s13 =	spop (v2sf);
	s8 =	sadd.s32 s11, s8  }
0x49: {  	s14 =	spop (v2sf);
	s8 =	sadd.s32 s10, s8  }
0x4a: {  	s15 =	spop (v2sf);
	s8 =	sadd.s32 s14, s8  }
0x4b: {  	s16 =	spop (v2sf);
	s8 =	sadd.s32 s13, s8  }
0x4c: {  	s17 =	spop (v2sf);
	s8 =	sadd.s32 s16, s8  }
0x4d: {  	s18 =	spop (v2sf);
	s8 =	sadd.s32 s15, s8  }
0x4e: {  	s19 =	spop (v2sf);
	s8 =	sadd.s32 s18, s8  }
0x4f: {  	s20 =	spop (v2sf);
	s8 =	sadd.s32 s17, s8  }
0x50: {  	s21 =	spop (v2sf);
	s8 =	sadd.s32 s20, s8  }
0x51: {  	s22 =	spop (v2sf);
	s8 =	sadd.s32 s19, s8  }
0x52: {  	s23 =	spop (v2sf);
	s8 =	sadd.s32 s22, s8  }
0x53: {  	s24 =	spop (v2sf);
	s8 =	sadd.s32 s21, s8  }
0x54: {  	s8 =	sadd.s32 s24, s8  }
0x55: {  	s8 =	sadd.s32 s23, s8  }
0x56: {  	s7 =	sadd.s32 s7, s8  }
0x57: {  	s7 =	sadd.s32 $0xFFFFFFFF, s7  }
0x58: {  	p1 =	sgt.s32 s7, $0x0  }
0x59: {  	v2 =	vmul.u32 $0x400, v2;
	s7 =	simm.s32 @!p1 $0x0  }
0x5a: {  	s25 =	sshll.u32 s7, $0x10  }
0x5b: {  	v4 =	vor.u32 $0x4000, v2;
	v49 =	vor.u32 s25, v2  }
0x5c: {  	v51 =	vor.u32 $0x8000, v2;
	v50 =	vor.u32 s25, v4;
	[tilespmem:$0x0] =	vst v49  }
0x5d: {  	v52 =	vor.u32 s25, v51;
	v2 =	vor.u32 $0xC000, v2;
	[tilespmem:$0x10] =	vst v50  }
0x5e: {  	[tilespmem:$0x20] =	vst v52;
	v2 =	vor.u32 s25, v2  }
0x5f: {  	s7 =	simm.s32 $0x40;
	[tilespmem:$0x30] =	vst v2  }
0x60: {  	[tilespmem:s5], [sflag:$0x1] =	stream.indirect.gather [hbm4b:s4+s7], $0x1, s2, s7, $0xb8;
	[tilespmem:$0x600] =	vst v63  }
0x61: {  	_ =	swait.ge [sflag:s6], $0x40  }
0x62: {  	[sflag:s6] =	ssyncset.done $0x0  }
0x63: {  	[sflag:s6] =	ssyncadd.s32 $0xFFFFFFC0  }
0x64: {  	v53 =	vld [tilespmem:$0x90];
	_ =	sdelay $0x4  }
0x65: {  	(v2sf) =	vpush v53, $0xF;
	_ =	sdelay $0xe  }
0x66: {  	s26 =	spop (v2sf)  }
0x67: {  	p1 =	slt.f32 s26, s3  }
0x68: {  	s9 =	simm.s32 $0x20  }
0x69: {  	s9 =	simm.s32 @!p1 $0x0  }
0x6a: {  	v54 =	vld [tilespmem:s9+$0x80];
	_ =	sdelay $0x4  }
0x6b: {  	(v2sf) =	vpush v54, $0xF;
	_ =	sdelay $0xe  }
0x6c: {  	s28 =	spop (v2sf)  }
0x6d: {  	p1 =	slt.f32 s28, s3  }
0x6e: {  	s10 =	simm.s32 $0x10  }
0x6f: {  	s10 =	simm.s32 @!p1 $0x0  }
0x70: {  	s9 =	sor.u32 s9, s10  }
0x71: {  	v55 =	vld [tilespmem:s9+$0x80];
	_ =	sdelay $0x4  }
0x72: {  	vm14 =	vlt.f32 v55, v43  }
0x73: {  	v2 =	vsel vm14, $0x1, v48  }
0x74: {  	(v2sf) =	vpush v2, $0x0  }
0x75: {  	(v2sf) =	vpush v2, $0x1  }
0x76: {  	(v2sf) =	vpush v2, $0x2  }
0x77: {  	(v2sf) =	vpush v2, $0x3  }
0x78: {  	(v2sf) =	vpush v2, $0x4  }
0x79: {  	(v2sf) =	vpush v2, $0x5  }
0x7a: {  	(v2sf) =	vpush v2, $0x6  }
0x7b: {  	(v2sf) =	vpush v2, $0x7  }
0x7c: {  	(v2sf) =	vpush v2, $0x8  }
0x7d: {  	(v2sf) =	vpush v2, $0x9  }
0x7e: {  	(v2sf) =	vpush v2, $0xA  }
0x7f: {  	(v2sf) =	vpush v2, $0xB  }
0x80: {  	(v2sf) =	vpush v2, $0xC  }
0x81: {  	(v2sf) =	vpush v2, $0xD  }
0x82: {  	(v2sf) =	vpush v2, $0xE  }
0x83: {  	s29 =	spop (v2sf);
	(v2sf) =	vpush v2, $0xF  }
0x84: {  	s30 =	spop (v2sf)  }
0x85: {  	s12 =	spop (v2sf)  }
0x86: {  	s10 =	sadd.s32 s29, s30;
	s31 =	spop (v2sf)  }
0x87: {  	s10 =	sadd.s32 s31, s10;
	s13 =	spop (v2sf)  }
0x88: {  	s10 =	sadd.s32 s12, s10;
	s14 =	spop (v2sf)  }
0x89: {  	s10 =	sadd.s32 s14, s10;
	s15 =	spop (v2sf)  }
0x8a: {  	s10 =	sadd.s32 s13, s10;
	s16 =	spop (v2sf)  }
0x8b: {  	s10 =	sadd.s32 s16, s10;
	s17 =	spop (v2sf)  }
0x8c: {  	s10 =	sadd.s32 s15, s10;
	s18 =	spop (v2sf)  }
0x8d: {  	s10 =	sadd.s32 s18, s10;
	s19 =	spop (v2sf)  }
0x8e: {  	s10 =	sadd.s32 s17, s10;
	s20 =	spop (v2sf)  }
0x8f: {  	s10 =	sadd.s32 s20, s10;
	s21 =	spop (v2sf)  }
0x90: {  	s10 =	sadd.s32 s19, s10;
	s22 =	spop (v2sf)  }
0x91: {  	s10 =	sadd.s32 s22, s10;
	s23 =	spop (v2sf)  }
0x92: {  	s10 =	sadd.s32 s21, s10;
	s24 =	spop (v2sf)  }
0x93: {  	s10 =	sadd.s32 s24, s10  }
0x94: {  	s10 =	sadd.s32 s23, s10  }
0x95: {  	s9 =	sadd.s32 s9, s10  }
0x96: {  	s9 =	sadd.s32 $0xFFFFFFFF, s9  }
0x97: {  	p1 =	sgt.s32 s9, $0x0  }
0x98: {  	s9 =	simm.s32 @!p1 $0x0  }
0x99: {  	s9 =	sshll.u32 s9, $0xA  }
0x9a: {  	s8 =	sadd.s32 s25, s9  }
0x9b: {  	s9 =	sshrl.u32 s8, $0x3  }
0x9c: {  	s25 =	sadd.s32 s4, s9;
	s9 =	simm.s32 $0x100  }
0x9d: {  	[tilespmem:s9], [sflag:$0x1] =	stream.linear.gather [hbm4b:s25+s2], $0x400, $0x38;
	[tilespmem:$0x600] =	vst v63  }
0x9e: {  	_ =	swait.ge [sflag:s6], $0x400  }
0x9f: {  	[sflag:s6] =	ssyncset.done $0x0  }
0xa0: {  	[sflag:s6] =	ssyncadd.s32 $0xFFFFFC00  }
0xa1: {  	v56 =	vld [tilespmem:$0x2F0];
	_ =	sdelay $0x4  }
0xa2: {  	(v2sf) =	vpush v56, $0xF;
	_ =	sdelay $0xe  }
0xa3: {  	s26 =	spop (v2sf)  }
0xa4: {  	p1 =	slt.f32 s26, s3  }
0xa5: {  	s4 =	simm.s32 $0x200  }
0xa6: {  	s4 =	simm.s32 @!p1 $0x0  }
0xa7: {  	v57 =	vld [tilespmem:s4+$0x1F0];
	_ =	sdelay $0x4  }
0xa8: {  	(v2sf) =	vpush v57, $0xF;
	_ =	sdelay $0xe  }
0xa9: {  	s28 =	spop (v2sf)  }
0xaa: {  	p1 =	slt.f32 s28, s3;
	_ =	sdelay $0x1  }
0xab: {  	s9 =	simm.s32 @!p1 $0x0  }
0xac: {  	s4 =	sor.u32 s4, s9  }
0xad: {  	v58 =	vld [tilespmem:s4+$0x170];
	_ =	sdelay $0x4  }
0xae: {  	(v2sf) =	vpush v58, $0xF;
	_ =	sdelay $0xe  }
0xaf: {  	s29 =	spop (v2sf)  }
0xb0: {  	p1 =	slt.f32 s29, s3;
	_ =	sdelay $0x1  }
0xb1: {  	s5 =	simm.s32 @!p1 $0x0  }
0xb2: {  	s4 =	sor.u32 s5, s4  }
0xb3: {  	v59 =	vld [tilespmem:s4+$0x130];
	_ =	sdelay $0x4  }
0xb4: {  	(v2sf) =	vpush v59, $0xF;
	_ =	sdelay $0xe  }
0xb5: {  	s30 =	spop (v2sf)  }
0xb6: {  	p1 =	slt.f32 s30, s3;
	_ =	sdelay $0x1  }
0xb7: {  	s31 =	sadd.s32 $0x100, s4;
	s7 =	simm.s32 @!p1 $0x0  }
0xb8: {  	s9 =	sor.u32 s7, s31  }
0xb9: {  	v60 =	vld [tilespmem:s9+$0x10];
	_ =	sdelay $0x4  }
0xba: {  	(v2sf) =	vpush v60, $0xF;
	_ =	sdelay $0xe  }
0xbb: {  	s10 =	spop (v2sf)  }
0xbc: {  	p1 =	slt.f32 s10, s3  }
0xbd: {  	s6 =	simm.s32 $0x20  }
0xbe: {  	s6 =	simm.s32 @!p1 $0x0  }
0xbf: {  	s6 =	sor.u32 s7, s6  }
0xc0: {  	s7 =	sor.u32 s6, s31  }
0xc1: {  	v61 =	vld [tilespmem:s7+$0x0];
	_ =	sdelay $0x4  }
0xc2: {  	(v2sf) =	vpush v61, $0xF;
	_ =	sdelay $0xe  }
0xc3: {  	s11 =	spop (v2sf)  }
0xc4: {  	p1 =	slt.f32 s11, s3  }
0xc5: {  	s3 =	simm.s32 $0x10  }
0xc6: {  	s3 =	simm.s32 @!p1 $0x0  }
0xc7: {  	s3 =	sor.u32 s4, s3  }
0xc8: {  	s3 =	sor.u32 s6, s3  }
0xc9: {  	s12 =	sand.u32 $0x70, s3  }
0xca: {  	s4 =	sor.u32 s12, s31  }
0xcb: {  	v62 =	vld [tilespmem:s4+$0x0];
	_ =	sdelay $0x4  }
0xcc: {  	vm15 =	vlt.f32 v62, v43  }
0xcd: {  	v0 =	vsel vm15, $0x1, v48  }
0xce: {  	(v2sf) =	vpush v0, $0x0  }
0xcf: {  	(v2sf) =	vpush v0, $0x1  }
0xd0: {  	(v2sf) =	vpush v0, $0x2  }
0xd1: {  	(v2sf) =	vpush v0, $0x3  }
0xd2: {  	(v2sf) =	vpush v0, $0x4  }
0xd3: {  	(v2sf) =	vpush v0, $0x5  }
0xd4: {  	(v2sf) =	vpush v0, $0x6  }
0xd5: {  	(v2sf) =	vpush v0, $0x7  }
0xd6: {  	(v2sf) =	vpush v0, $0x8  }
0xd7: {  	(v2sf) =	vpush v0, $0x9  }
0xd8: {  	(v2sf) =	vpush v0, $0xA  }
0xd9: {  	(v2sf) =	vpush v0, $0xB  }
0xda: {  	(v2sf) =	vpush v0, $0xC  }
0xdb: {  	(v2sf) =	vpush v0, $0xD  }
0xdc: {  	(v2sf) =	vpush v0, $0xE  }
0xdd: {  	s13 =	spop (v2sf);
	(v2sf) =	vpush v0, $0xF  }
0xde: {  	s14 =	spop (v2sf)  }
0xdf: {  	s5 =	sor.u32 s8, s14;
	s15 =	spop (v2sf)  }
0xe0: {  	s4 =	sadd.s32 s13, s5;
	s16 =	spop (v2sf)  }
0xe1: {  	s4 =	sadd.s32 s16, s4;
	s17 =	spop (v2sf)  }
0xe2: {  	s4 =	sadd.s32 s15, s4;
	s18 =	spop (v2sf)  }
0xe3: {  	s4 =	sadd.s32 s18, s4;
	s19 =	spop (v2sf)  }
0xe4: {  	s4 =	sadd.s32 s17, s4;
	s20 =	spop (v2sf)  }
0xe5: {  	s4 =	sadd.s32 s20, s4;
	s21 =	spop (v2sf)  }
0xe6: {  	s4 =	sadd.s32 s19, s4;
	s22 =	spop (v2sf)  }
0xe7: {  	s4 =	sadd.s32 s22, s4;
	s23 =	spop (v2sf)  }
0xe8: {  	s4 =	sadd.s32 s21, s4;
	s24 =	spop (v2sf)  }
0xe9: {  	s4 =	sadd.s32 s24, s4;
	s25 =	spop (v2sf)  }
0xea: {  	s4 =	sadd.s32 s23, s4;
	s26 =	spop (v2sf)  }
0xeb: {  	s4 =	sadd.s32 s26, s4;
	s28 =	spop (v2sf)  }
0xec: {  	s4 =	sadd.s32 s25, s4;
	s29 =	spop (v2sf)  }
0xed: {  	s4 =	sadd.s32 s29, s4  }
0xee: {  	s4 =	sadd.s32 s28, s4  }
0xef: {  	s3 =	sadd.s32 s3, s4  }
0xf0: {  	v63 =	vmov s3  }
0xf1: {  	s30 =	simm.s32 $0x580;
	s31 =	simm.s32 $0x3;
	[tilespmem:$0x580] =	vst v63  }
0xf2: {  	[hbm4b:s1+s2] =	stream.linear.scatter [tilespmem:s30], [sflag:$0x3], $0x80, $0x38;
	[tilespmem:$0x600] =	vst v63  }
0xf3: {  	_ =	swait.ge [sflag:s31], $0x80  }
0xf4: {  	[sflag:s31] =	ssyncset.done $0x0  }
0xf5: {  	[sflag:s31] =	ssyncadd.s32 $0xFFFFFF80  }
.LBB2_2:
0xf6: {  	_ =	sfence.sel $0x180000  }
0xf7: {  	[bflag:$0x0] =	sbarrier.arrive $0xFFFF  }
0xf8: {  	_ =	strace $0x90000047  }
0xf9: {  	s0 =	sadd.s32 @!p0 $0x100000, s0;
	[bflag:$0x2] =	sbarrier.arrive $0xFFFF  }
0xfa: {  	[sflag:s0] =	ssyncadd.tile.s32 @!p0 $0x1;
	_ =	shalt  }
.Lfunc_end2:
_tile_overlayer_lowered:
.L_overlay_start_2:
0xfb: {  	(tag) =	ssettag $0x2  }
0xfc: {  	s0 =	rddreg [dreg:$0x0];
	s2 =	stileid.u32  }
0xfd: {  	s1 =	rddreg [dreg:$0x1];
	p0 =	sne.s32 s2, $0x0  }
0xfe: {  	s3 =	rddreg [dreg:$0x2];
	[bflag:$0x3] =	sbarrier.arrive $0xFFFF;
	s2 =	simm.s32 @!p0 $0x1C03  }
0xff: {  	[timem:s3], [sflag:s2] =	dma.local @!p0 [hbm:s0], s1  }
0x100: {  	s0 =	simm.s32 @!p0 $0x3  }
0x101: {  	_ =	swait.ge @!p0 [sflag:s0], s1  }
0x102: {  	s1 =	ssub.s32 @!p0 $0x0, s1;
	[sflag:s0] =	ssyncset.done @!p0 $0x0  }
0x103: {  	[sflag:s0] =	ssyncadd.s32 @!p0 s1  }
0x104: {  	[bflag:$0x3] =	sbarrier.arrive $0xFFFF  }
0x105: {  	_ =	shalt  }

</sc_bundles>
